<compile_context>
chip_gen: v7x
topology: tpu7x:2x2x1
jax: 0.10.2.dev20260603
libtpu: 0.0.44.dev20260713+nightly
codegen_flags: <defaults>
</compile_context>

<pallas_src>
import jax
import jax.numpy as jnp
from jax import lax
from jax.experimental import pallas as pl
from jax.experimental.pallas import tpu as pltpu
from jax.experimental.pallas import tpu_sc as plsc

N = 10000
E = 320000
NPAD = 10240
LANES = 16
NC, NS = 2, 16
NW = NC * NS
EPW = E // NW
NBLK = E // 128
BPW = -(-NBLK // NW)
BLK = 5120
D0 = 192
NCLS = 16


def _sc_mark_body(edges_hbm, out_hbm, idx_v, mark_v):
    wid = lax.axis_index("s") * NC + lax.axis_index("c")
    pltpu.sync_copy(edges_hbm.at[pl.ds(E + wid * EPW, EPW)], idx_v)
    zeros = jnp.zeros((LANES,), jnp.float32)

    UNROLL = 5

    def zero_body(j, carry):
        for k in range(UNROLL):
            mark_v[pl.ds((j * UNROLL + k) * LANES, LANES)] = zeros
        return carry

    lax.fori_loop(0, NPAD // LANES // UNROLL, zero_body, 0)
    ones = jnp.ones((LANES,), jnp.float32)

    def scat_body(j, carry):
        for k in range(UNROLL):
            idx16 = idx_v[pl.ds((j * UNROLL + k) * LANES, LANES)]
            plsc.store_scatter(mark_v, [idx16], ones)
        return carry

    lax.fori_loop(0, EPW // LANES // UNROLL, scat_body, 0)
    pltpu.sync_copy(mark_v, out_hbm.at[pl.ds(wid * NPAD, NPAD)])


def _sc_marks(edges_flat):
    mesh = plsc.VectorSubcoreMesh(core_axis_name="c", subcore_axis_name="s")
    return pl.kernel(
        _sc_mark_body,
        out_type=jax.ShapeDtypeStruct((NW * NPAD,), jnp.float32),
        mesh=mesh,
        compiler_params=pltpu.CompilerParams(needs_layout_passes=False),
        scratch_types=[
            pltpu.VMEM((EPW,), jnp.int32),
            pltpu.VMEM((NPAD,), jnp.float32),
        ],
    )(edges_flat)


def _dot_nt(a, b):
    return lax.dot_general(a, b, (((1,), (1,)), ((), ())),
                           preferred_element_type=jnp.float32)


def _dot_nn(a, b):
    return lax.dot_general(a, b, (((1,), (0,)), ((), ())),
                           preferred_element_type=jnp.float32)


def _tc_dense_body(x_ref, mk_ref, w0_ref, wih0_ref, b0_ref,
                   w1_ref, wih1_ref, b1_ref, w2_ref, wih2_ref, b2_ref,
                   out_ref):
    mask = (jnp.max(mk_ref[...], axis=0).reshape(1, BLK) > 0.0).astype(jnp.float32)

    def sigmoid(x):
        return 0.5 * jnp.tanh(0.5 * x) + 0.5

    def lstm(u, wih_ref, b_ref, H):
        gi = sigmoid(_dot_nn(wih_ref[0:H, :], u) + b_ref[:, 0:1])
        gg = jnp.tanh(_dot_nn(wih_ref[2 * H:3 * H, :], u) + b_ref[:, 2:3])
        go = sigmoid(_dot_nn(wih_ref[3 * H:4 * H, :], u) + b_ref[:, 3:4])
        return go * jnp.tanh(gi * gg)

    u = jnp.maximum(_dot_nt(w0_ref[...], x_ref[...]), 0.0) * mask
    h = lstm(u, wih0_ref, b0_ref, D0)
    u = jnp.maximum(_dot_nn(w1_ref[...], h), 0.0) * mask
    h = lstm(u, wih1_ref, b1_ref, D0)
    u = _dot_nn(w2_ref[...], h) * mask
    out_ref[...] = lstm(u, wih2_ref, b2_ref, NCLS)


def _tc_specs():
    full = lambda shape: pl.BlockSpec(shape, lambda i: (0, 0))
    return [pl.BlockSpec((BLK, 128), lambda i: (i, 0)),
            pl.BlockSpec((NW, BLK // 128, 128), lambda i: (0, i, 0)),
            full((D0, 128)), full((4 * D0, D0)), full((D0, 4)),
            full((D0, D0)), full((4 * D0, D0)), full((D0, 4)),
            full((NCLS, D0)), full((4 * NCLS, NCLS)), full((NCLS, 4))]


def kernel(x, edge_index, W0, A0, Wih0, bih0, bhh0, W1, A1, Wih1, bih1, bhh1,
           W2, A2, Wih2, bih2, bhh2):
    marks = _sc_marks(edge_index.reshape(2 * E))
    mk = marks.reshape(NW, NPAD // 128, 128)

    out = pl.pallas_call(
        _tc_dense_body,
        grid=(pl.cdiv(N, BLK),),
        in_specs=_tc_specs(),
        out_specs=pl.BlockSpec((NCLS, BLK), lambda i: (0, i)),
        out_shape=jax.ShapeDtypeStruct((NCLS, N), jnp.float32),
    )(x, mk,
      W0.reshape(D0, 128), Wih0, (bih0 + bhh0).reshape(4, D0).T,
      W1.reshape(D0, D0), Wih1, (bih1 + bhh1).reshape(4, D0).T,
      W2.reshape(NCLS, D0), Wih2, (bih2 + bhh2).reshape(4, NCLS).T)
    return out.T

# --- scband reference (transcript-rebuilt; emitter-appended) ---
"""Pipeline reference for scband-genie-path-67705864454155 (READ-ONLY COPY).

The authoritative reference and input builder live on the scoring server;
editing this copy changes nothing except your own understanding.
"""

import jax, jax.numpy as jnp
import numpy as np

N = 10000
E = 320000
IN_DIM = 128
HID = 64
HEADS = 3
NCLS = 16
D0 = HID * HEADS


def _seg_softmax(logit, seg, n):
    m = jax.ops.segment_max(logit, seg, num_segments=n)
    m = jnp.where(jnp.isfinite(m), m, 0.0)
    e = jnp.exp(logit - m[seg])
    s = jax.ops.segment_sum(e, seg, num_segments=n)
    return e / jnp.maximum(s[seg], 1e-16)


def _reduce_layer(h, src, dst, W, A, use_act):
    # NodeReduceModule: per dst node, softmax(leaky_relu(att([fc(hv), fc(hu)]))) over
    # incoming edges, weighted sum of fc(hv). Batched over all edges with segment ops.
    outs = []
    for i in range(W.shape[0]):
        hvv = h[dst] @ W[i].T
        huu = h[src] @ W[i].T
        logit = jax.nn.leaky_relu(jnp.concatenate([hvv, huu], axis=1) @ A[i], 0.01)
        a = _seg_softmax(logit, dst, N)
        o = jax.ops.segment_sum(a[:, None] * hvv, dst, num_segments=N)
        if use_act:
            o = jax.nn.relu(o)
        outs.append(o)
    return outs


def _lstm_step(x, Wih, bih, bhh):
    # single-step LSTM with zero initial (h0, c0); pytorch gate order i, f, g, o
    g = x @ Wih.T + bih + bhh
    H = x.shape[1]
    i, f, gg, o = g[:, :H], g[:, H:2 * H], g[:, 2 * H:3 * H], g[:, 3 * H:]
    c = jax.nn.sigmoid(i) * jnp.tanh(gg)
    return jax.nn.sigmoid(o) * jnp.tanh(c)


def setup_inputs(seed: int = 0):
    key = jax.random.key(seed)
    ks = jax.random.split(key, 18)

    def lin(k, shape, fan_in):
        return (jax.random.normal(k, shape, dtype=jnp.float32) / np.sqrt(fan_in)).astype(jnp.float32)

    inp = {}
    inp["x"] = jax.random.normal(ks[0], (N, IN_DIM), dtype=jnp.float32)
    inp["edge_index"] = jax.random.randint(ks[1], (2, E), 0, N)
    inp["W0"] = lin(ks[2], (HEADS, HID, IN_DIM), IN_DIM)
    inp["A0"] = lin(ks[3], (HEADS, 2 * HID), 2 * HID)
    inp["Wih0"] = lin(ks[4], (4 * D0, D0), D0)
    inp["bih0"] = 0.05 * jax.random.normal(ks[5], (4 * D0,), dtype=jnp.float32)
    inp["bhh0"] = 0.05 * jax.random.normal(ks[6], (4 * D0,), dtype=jnp.float32)
    inp["W1"] = lin(ks[7], (HEADS, HID, D0), D0)
    inp["A1"] = lin(ks[8], (HEADS, 2 * HID), 2 * HID)
    inp["Wih1"] = lin(ks[9], (4 * D0, D0), D0)
    inp["bih1"] = 0.05 * jax.random.normal(ks[10], (4 * D0,), dtype=jnp.float32)
    inp["bhh1"] = 0.05 * jax.random.normal(ks[11], (4 * D0,), dtype=jnp.float32)
    inp["W2"] = lin(ks[12], (1, NCLS, D0), D0)
    inp["A2"] = lin(ks[13], (1, 2 * NCLS), 2 * NCLS)
    inp["Wih2"] = lin(ks[14], (4 * NCLS, NCLS), NCLS)
    inp["bih2"] = 0.05 * jax.random.normal(ks[15], (4 * NCLS,), dtype=jnp.float32)
    inp["bhh2"] = 0.05 * jax.random.normal(ks[16], (4 * NCLS,), dtype=jnp.float32)
    return inp


def reference(x, edge_index, W0, A0, Wih0, bih0, bhh0, W1, A1, Wih1, bih1, bhh1, W2, A2, Wih2, bih2, bhh2):
    src, dst = edge_index[0], edge_index[1]
    # layer 0: 3-head attention reduce + relu + concat heads + LSTM step
    heads = _reduce_layer(x, src, dst, W0, A0, True)
    h = _lstm_step(jnp.concatenate(heads, axis=1), Wih0, bih0, bhh0)
    # layer 1
    heads = _reduce_layer(h, src, dst, W1, A1, True)
    h = _lstm_step(jnp.concatenate(heads, axis=1), Wih1, bih1, bhh1)
    # final layer: 1 head, no activation, aggregator = sum of head list
    heads = _reduce_layer(h, src, dst, W2, A2, False)
    h = _lstm_step(sum(heads), Wih2, bih2, bhh2)
    return h

if __name__ == "__main__":
    import jax
    _d = setup_inputs()
    print(jax.jit(kernel)(*tuple(_d.values())))

</pallas_src>

<mosaic_0001>
#map = affine_map<(d0, d1) -> (0)>
module attributes {stable_mosaic.version = 14 : i64} {
  func.func @_sc_mark_body(%arg0: i32, %arg1: i32, %arg2: memref<640000xi32, #tpu.memory_space<hbm>>, %arg3: memref<327680xf32, #tpu.memory_space<hbm>>, %arg4: memref<10000xi32, #tpu.memory_space<vmem>>, %arg5: memref<10240xf32, #tpu.memory_space<vmem>>) attributes {dimension_semantics = [#tpu.dimension_semantics<core_parallel>, #tpu.dimension_semantics<subcore_parallel>], iteration_bounds = array<i64: 2, 16>, scalar_prefetch = 0 : i64, scratch_operands = 2 : i64, tpu.core_type = #tpu.core_type<sc_vector_subcore>, window_params = [{transform_indices = #map}, {transform_indices = #map}]} {
    %mul3A = arith.constant 2 : i32
    %mul3A_0 = arith.muli %arg1, %mul3A : i32
    %add3A = arith.addi %mul3A_0, %arg0 : i32
    %mul3A_1 = arith.constant 10000 : i32
    %mul3A_2 = arith.muli %add3A, %mul3A_1 : i32
    %add3A_3 = arith.constant 320000 : i32
    %add3A_4 = arith.addi %add3A_3, %mul3A_2 : i32
    "tpu.region"() ({
      %run_scoped3A = tpu.sem_alloc : memref<!tpu.dma_semaphore, #tpu.memory_space<semaphore_mem>>
      %dma_start3A = tpu.memref_slice %arg2[%add3A_4] : memref<640000xi32, #tpu.memory_space<hbm>> -> memref<10000xi32, #tpu.memory_space<hbm>>
      %dma_start3A_21 = tpu.memref_slice %arg2[%add3A_4] : memref<640000xi32, #tpu.memory_space<hbm>> -> memref<10000xi32, #tpu.memory_space<hbm>>
      tpu.enqueue_dma source(%dma_start3A_21 : memref<10000xi32, #tpu.memory_space<hbm>>) target(%arg4 : memref<10000xi32, #tpu.memory_space<vmem>>) target_semaphore(%run_scoped3A : memref<!tpu.dma_semaphore, #tpu.memory_space<semaphore_mem>>)
      %dma_wait3A = tpu.memref_slice %arg2[%add3A_4] : memref<640000xi32, #tpu.memory_space<hbm>> -> memref<10000xi32, #tpu.memory_space<hbm>>
      %dma_wait3A_22 = tpu.memref_slice %arg2[%add3A_4] : memref<640000xi32, #tpu.memory_space<hbm>> -> memref<10000xi32, #tpu.memory_space<hbm>>
      tpu.wait_dma2 semaphore(%run_scoped3A : memref<!tpu.dma_semaphore, #tpu.memory_space<semaphore_mem>>) src(%dma_wait3A_22 : memref<10000xi32, #tpu.memory_space<hbm>>) dst(%arg4 : memref<10000xi32, #tpu.memory_space<vmem>>)
      tpu.yield
    }) : () -> ()
    %broadcast_in_dim3A = arith.constant 0.000000e+00 : f32
    %broadcast_in_dim3A_5 = vector.broadcast %broadcast_in_dim3A : f32 to vector<16xf32>
    %scan3A = arith.constant 0 : i32
    %scan3A_6 = arith.constant 0 : i32
    %scan3A_7 = arith.constant 128 : i32
    %scan3A_8 = arith.addi %scan3A_6, %scan3A_7 : i32
    %scan3A_9 = arith.constant 1 : i32
    scf.for %scan3A_21 = %scan3A_6 to %scan3A_8 step %scan3A_9  : i32 {
      %mul3A_22 = arith.constant 5 : i32
      %mul3A_23 = arith.muli %scan3A_21, %mul3A_22 : i32
      %add3A_24 = arith.constant 0 : i32
      %add3A_25 = arith.addi %mul3A_23, %add3A_24 : i32
      %mul3A_26 = arith.constant 16 : i32
      %mul3A_27 = arith.muli %add3A_25, %mul3A_26 : i32
      %swap3A = arith.index_cast %mul3A_27 : i32 to index
      %swap3A_28 = tpu.vector_load %arg5[%swap3A] {strides = array<i32>} : memref<10240xf32, #tpu.memory_space<vmem>>, vector<16xf32>,
      tpu.vector_store %arg5[%swap3A], %broadcast_in_dim3A_5 {strides = array<i32>} : memref<10240xf32, #tpu.memory_space<vmem>>, vector<16xf32>,
      %mul3A_29 = arith.constant 5 : i32
      %mul3A_30 = arith.muli %scan3A_21, %mul3A_29 : i32
      %add3A_31 = arith.constant 1 : i32
      %add3A_32 = arith.addi %mul3A_30, %add3A_31 : i32
      %mul3A_33 = arith.constant 16 : i32
      %mul3A_34 = arith.muli %add3A_32, %mul3A_33 : i32
      %swap3A_35 = arith.index_cast %mul3A_34 : i32 to index
      %swap3A_36 = tpu.vector_load %arg5[%swap3A_35] {strides = array<i32>} : memref<10240xf32, #tpu.memory_space<vmem>>, vector<16xf32>,
      tpu.vector_store %arg5[%swap3A_35], %broadcast_in_dim3A_5 {strides = array<i32>} : memref<10240xf32, #tpu.memory_space<vmem>>, vector<16xf32>,
      %mul3A_37 = arith.constant 5 : i32
      %mul3A_38 = arith.muli %scan3A_21, %mul3A_37 : i32
      %add3A_39 = arith.constant 2 : i32
      %add3A_40 = arith.addi %mul3A_38, %add3A_39 : i32
      %mul3A_41 = arith.constant 16 : i32
      %mul3A_42 = arith.muli %add3A_40, %mul3A_41 : i32
      %swap3A_43 = arith.index_cast %mul3A_42 : i32 to index
      %swap3A_44 = tpu.vector_load %arg5[%swap3A_43] {strides = array<i32>} : memref<10240xf32, #tpu.memory_space<vmem>>, vector<16xf32>,
      tpu.vector_store %arg5[%swap3A_43], %broadcast_in_dim3A_5 {strides = array<i32>} : memref<10240xf32, #tpu.memory_space<vmem>>, vector<16xf32>,
      %mul3A_45 = arith.constant 5 : i32
      %mul3A_46 = arith.muli %scan3A_21, %mul3A_45 : i32
      %add3A_47 = arith.constant 3 : i32
      %add3A_48 = arith.addi %mul3A_46, %add3A_47 : i32
      %mul3A_49 = arith.constant 16 : i32
      %mul3A_50 = arith.muli %add3A_48, %mul3A_49 : i32
      %swap3A_51 = arith.index_cast %mul3A_50 : i32 to index
      %swap3A_52 = tpu.vector_load %arg5[%swap3A_51] {strides = array<i32>} : memref<10240xf32, #tpu.memory_space<vmem>>, vector<16xf32>,
      tpu.vector_store %arg5[%swap3A_51], %broadcast_in_dim3A_5 {strides = array<i32>} : memref<10240xf32, #tpu.memory_space<vmem>>, vector<16xf32>,
      %mul3A_53 = arith.constant 5 : i32
      %mul3A_54 = arith.muli %scan3A_21, %mul3A_53 : i32
      %add3A_55 = arith.constant 4 : i32
      %add3A_56 = arith.addi %mul3A_54, %add3A_55 : i32
      %mul3A_57 = arith.constant 16 : i32
      %mul3A_58 = arith.muli %add3A_56, %mul3A_57 : i32
      %swap3A_59 = arith.index_cast %mul3A_58 : i32 to index
      %swap3A_60 = tpu.vector_load %arg5[%swap3A_59] {strides = array<i32>} : memref<10240xf32, #tpu.memory_space<vmem>>, vector<16xf32>,
      tpu.vector_store %arg5[%swap3A_59], %broadcast_in_dim3A_5 {strides = array<i32>} : memref<10240xf32, #tpu.memory_space<vmem>>, vector<16xf32>,
    }
    %scan3A_10 = arith.constant 128 : i32
    %broadcast_in_dim3A_11 = arith.constant 1.000000e+00 : f32
    %broadcast_in_dim3A_12 = vector.broadcast %broadcast_in_dim3A_11 : f32 to vector<16xf32>
    %scan3A_13 = arith.constant 0 : i32
    %scan3A_14 = arith.constant 0 : i32
    %scan3A_15 = arith.constant 125 : i32
    %scan3A_16 = arith.addi %scan3A_14, %scan3A_15 : i32
    %scan3A_17 = arith.constant 1 : i32
    scf.for %scan3A_21 = %scan3A_14 to %scan3A_16 step %scan3A_17  : i32 {
      %mul3A_22 = arith.constant 5 : i32
      %mul3A_23 = arith.muli %scan3A_21, %mul3A_22 : i32
      %add3A_24 = arith.constant 0 : i32
      %add3A_25 = arith.addi %mul3A_23, %add3A_24 : i32
      %mul3A_26 = arith.constant 16 : i32
      %mul3A_27 = arith.muli %add3A_25, %mul3A_26 : i32
      %get3A = arith.index_cast %mul3A_27 : i32 to index
      %get3A_28 = tpu.vector_load %arg4[%get3A] {strides = array<i32>} : memref<10000xi32, #tpu.memory_space<vmem>>, vector<16xi32>,
      tpu.vector_store_idx %arg5[%get3A_28], %broadcast_in_dim3A_12 : memref<10240xf32, #tpu.memory_space<vmem>>[vector<16xi32>], vector<16xf32>,
      %mul3A_29 = arith.constant 5 : i32
      %mul3A_30 = arith.muli %scan3A_21, %mul3A_29 : i32
      %add3A_31 = arith.constant 1 : i32
      %add3A_32 = arith.addi %mul3A_30, %add3A_31 : i32
      %mul3A_33 = arith.constant 16 : i32
      %mul3A_34 = arith.muli %add3A_32, %mul3A_33 : i32
      %get3A_35 = arith.index_cast %mul3A_34 : i32 to index
      %get3A_36 = tpu.vector_load %arg4[%get3A_35] {strides = array<i32>} : memref<10000xi32, #tpu.memory_space<vmem>>, vector<16xi32>,
      tpu.vector_store_idx %arg5[%get3A_36], %broadcast_in_dim3A_12 : memref<10240xf32, #tpu.memory_space<vmem>>[vector<16xi32>], vector<16xf32>,
      %mul3A_37 = arith.constant 5 : i32
      %mul3A_38 = arith.muli %scan3A_21, %mul3A_37 : i32
      %add3A_39 = arith.constant 2 : i32
      %add3A_40 = arith.addi %mul3A_38, %add3A_39 : i32
      %mul3A_41 = arith.constant 16 : i32
      %mul3A_42 = arith.muli %add3A_40, %mul3A_41 : i32
      %get3A_43 = arith.index_cast %mul3A_42 : i32 to index
      %get3A_44 = tpu.vector_load %arg4[%get3A_43] {strides = array<i32>} : memref<10000xi32, #tpu.memory_space<vmem>>, vector<16xi32>,
      tpu.vector_store_idx %arg5[%get3A_44], %broadcast_in_dim3A_12 : memref<10240xf32, #tpu.memory_space<vmem>>[vector<16xi32>], vector<16xf32>,
      %mul3A_45 = arith.constant 5 : i32
      %mul3A_46 = arith.muli %scan3A_21, %mul3A_45 : i32
      %add3A_47 = arith.constant 3 : i32
      %add3A_48 = arith.addi %mul3A_46, %add3A_47 : i32
      %mul3A_49 = arith.constant 16 : i32
      %mul3A_50 = arith.muli %add3A_48, %mul3A_49 : i32
      %get3A_51 = arith.index_cast %mul3A_50 : i32 to index
      %get3A_52 = tpu.vector_load %arg4[%get3A_51] {strides = array<i32>} : memref<10000xi32, #tpu.memory_space<vmem>>, vector<16xi32>,
      tpu.vector_store_idx %arg5[%get3A_52], %broadcast_in_dim3A_12 : memref<10240xf32, #tpu.memory_space<vmem>>[vector<16xi32>], vector<16xf32>,
      %mul3A_53 = arith.constant 5 : i32
      %mul3A_54 = arith.muli %scan3A_21, %mul3A_53 : i32
      %add3A_55 = arith.constant 4 : i32
      %add3A_56 = arith.addi %mul3A_54, %add3A_55 : i32
      %mul3A_57 = arith.constant 16 : i32
      %mul3A_58 = arith.muli %add3A_56, %mul3A_57 : i32
      %get3A_59 = arith.index_cast %mul3A_58 : i32 to index
      %get3A_60 = tpu.vector_load %arg4[%get3A_59] {strides = array<i32>} : memref<10000xi32, #tpu.memory_space<vmem>>, vector<16xi32>,
      tpu.vector_store_idx %arg5[%get3A_60], %broadcast_in_dim3A_12 : memref<10240xf32, #tpu.memory_space<vmem>>[vector<16xi32>], vector<16xf32>,
    }
    %scan3A_18 = arith.constant 125 : i32
    %mul3A_19 = arith.constant 10240 : i32
    %mul3A_20 = arith.muli %add3A, %mul3A_19 : i32
    "tpu.region"() ({
      %run_scoped3A = tpu.sem_alloc : memref<!tpu.dma_semaphore, #tpu.memory_space<semaphore_mem>>
      %dma_start3A = tpu.memref_slice %arg3[%mul3A_20] : memref<327680xf32, #tpu.memory_space<hbm>> -> memref<10240xf32, #tpu.memory_space<hbm>>
      %dma_start3A_21 = tpu.memref_slice %arg3[%mul3A_20] : memref<327680xf32, #tpu.memory_space<hbm>> -> memref<10240xf32, #tpu.memory_space<hbm>>
      tpu.enqueue_dma source(%arg5 : memref<10240xf32, #tpu.memory_space<vmem>>) target(%dma_start3A_21 : memref<10240xf32, #tpu.memory_space<hbm>>) target_semaphore(%run_scoped3A : memref<!tpu.dma_semaphore, #tpu.memory_space<semaphore_mem>>)
      %dma_wait3A = tpu.memref_slice %arg3[%mul3A_20] : memref<327680xf32, #tpu.memory_space<hbm>> -> memref<10240xf32, #tpu.memory_space<hbm>>
      %dma_wait3A_22 = tpu.memref_slice %arg3[%mul3A_20] : memref<327680xf32, #tpu.memory_space<hbm>> -> memref<10240xf32, #tpu.memory_space<hbm>>
      tpu.wait_dma2 semaphore(%run_scoped3A : memref<!tpu.dma_semaphore, #tpu.memory_space<semaphore_mem>>) src(%arg5 : memref<10240xf32, #tpu.memory_space<vmem>>) dst(%dma_wait3A_22 : memref<10240xf32, #tpu.memory_space<hbm>>)
      tpu.yield
    }) : () -> ()
    return
  }
}

module attributes {stable_mosaic.version = 14 : i64} {
  func.func @_tc_dense_body(%arg0: i32, %arg1: memref<5120x128xf32, #tpu.memory_space<vmem>>, %arg2: memref<32x40x128xf32, #tpu.memory_space<vmem>>, %arg3: memref<192x128xf32, #tpu.memory_space<vmem>>, %arg4: memref<768x192xf32, #tpu.memory_space<vmem>>, %arg5: memref<192x4xf32, #tpu.memory_space<vmem>>, %arg6: memref<192x192xf32, #tpu.memory_space<vmem>>, %arg7: memref<768x192xf32, #tpu.memory_space<vmem>>, %arg8: memref<192x4xf32, #tpu.memory_space<vmem>>, %arg9: memref<16x192xf32, #tpu.memory_space<vmem>>, %arg10: memref<64x16xf32, #tpu.memory_space<vmem>>, %arg11: memref<16x4xf32, #tpu.memory_space<vmem>>, %arg12: memref<16x5120xf32, #tpu.memory_space<vmem>>) attributes {dimension_semantics = [#tpu.dimension_semantics<arbitrary>], iteration_bounds = array<i64: 2>, scalar_prefetch = 0 : i64, scratch_operands = 0 : i64, tpu.core_type = #tpu.core_type<tc>, window_params = [{transform_indices = @transform_0, window_bounds = array<i64: 5120, 128>}, {transform_indices = @transform_1, window_bounds = array<i64: 32, 40, 128>}, {pipeline_mode = #tpu.pipeline_mode<synchronous>, transform_indices = @transform_2, window_bounds = array<i64: 192, 128>}, {pipeline_mode = #tpu.pipeline_mode<synchronous>, transform_indices = @transform_3, window_bounds = array<i64: 768, 192>}, {pipeline_mode = #tpu.pipeline_mode<synchronous>, transform_indices = @transform_4, window_bounds = array<i64: 192, 4>}, {pipeline_mode = #tpu.pipeline_mode<synchronous>, transform_indices = @transform_5, window_bounds = array<i64: 192, 192>}, {pipeline_mode = #tpu.pipeline_mode<synchronous>, transform_indices = @transform_6, window_bounds = array<i64: 768, 192>}, {pipeline_mode = #tpu.pipeline_mode<synchronous>, transform_indices = @transform_7, window_bounds = array<i64: 192, 4>}, {pipeline_mode = #tpu.pipeline_mode<synchronous>, transform_indices = @transform_8, window_bounds = array<i64: 16, 192>}, {pipeline_mode = #tpu.pipeline_mode<synchronous>, transform_indices = @transform_9, window_bounds = array<i64: 64, 16>}, {pipeline_mode = #tpu.pipeline_mode<synchronous>, transform_indices = @transform_10, window_bounds = array<i64: 16, 4>}, {transform_indices = @transform_11, window_bounds = array<i64: 16, 5120>}]} {
    %get3A = arith.constant 0 : index
    %get3A_0 = arith.constant 0 : index
    %get3A_1 = arith.constant 0 : index
    %get3A_2 = vector.load %arg2[%get3A, %get3A_0, %get3A_1] : memref<32x40x128xf32, #tpu.memory_space<vmem>>, vector<32x40x128xf32>
    %reduce_max3A = arith.constant dense<0xFF800000> : vector<40x128xf32>
    %reduce_max3A_3 = vector.multi_reduction <maximumf>, %get3A_2, %reduce_max3A [0] : vector<32x40x128xf32> to vector<40x128xf32>
    %reshape3A = vector.shape_cast %reduce_max3A_3 : vector<40x128xf32> to vector<1x5120xf32>
    %gt3A = arith.constant 0.000000e+00 : f32
    %gt3A_4 = vector.broadcast %gt3A : f32 to vector<1x5120xf32>
    %gt3A_5 = arith.cmpf ogt, %reshape3A, %gt3A_4 : vector<1x5120xf32>
    %convert_element_type3A = arith.extui %gt3A_5 : vector<1x5120xi1> to vector<1x5120xi32>
    %convert_element_type3A_6 = arith.sitofp %convert_element_type3A : vector<1x5120xi32> to vector<1x5120xf32>
    %get3A_7 = arith.constant 0 : index
    %get3A_8 = arith.constant 0 : index
    %get3A_9 = vector.load %arg3[%get3A_7, %get3A_8] : memref<192x128xf32, #tpu.memory_space<vmem>>, vector<192x128xf32>
    %get3A_10 = arith.constant 0 : index
    %get3A_11 = arith.constant 0 : index
    %get3A_12 = vector.load %arg1[%get3A_10, %get3A_11] : memref<5120x128xf32, #tpu.memory_space<vmem>>, vector<5120x128xf32>
    %dot_general3A = arith.constant dense<0.000000e+00> : vector<192x5120xf32>
    %dot_general3A_13 = tpu.matmul %get3A_9, %get3A_12, %dot_general3A {dimension_numbers = #tpu.dot_dimension_numbers<[1], [1], [0], [0], [0, 0, 1, 0], [], []>, transpose_lhs_hint = false} : vector<192x128xf32>, vector<5120x128xf32>, vector<192x5120xf32> -> vector<192x5120xf32>
    %max3A = arith.constant 0.000000e+00 : f32
    %max3A_14 = vector.broadcast %max3A : f32 to vector<192x5120xf32>
    %max3A_15 = arith.maximumf %dot_general3A_13, %max3A_14 : vector<192x5120xf32>
    %mul3A = vector.broadcast %convert_element_type3A_6 : vector<1x5120xf32> to vector<192x5120xf32>
    %mul3A_16 = arith.mulf %max3A_15, %mul3A : vector<192x5120xf32>
    %get3A_17 = arith.constant 0 : index
    %get3A_18 = arith.constant 0 : index
    %get3A_19 = vector.load %arg4[%get3A_17, %get3A_18] : memref<768x192xf32, #tpu.memory_space<vmem>>, vector<192x192xf32>
    %dot_general3A_20 = arith.constant dense<0.000000e+00> : vector<192x5120xf32>
    %dot_general3A_21 = tpu.matmul %get3A_19, %mul3A_16, %dot_general3A_20 {dimension_numbers = #tpu.dot_dimension_numbers<[1], [0], [0], [1], [0, 0, 1, 1], [], []>, transpose_lhs_hint = false} : vector<192x192xf32>, vector<192x5120xf32>, vector<192x5120xf32> -> vector<192x5120xf32>
    %get3A_22 = arith.constant 0 : index
    %get3A_23 = arith.constant 0 : index
    %get3A_24 = vector.load %arg5[%get3A_22, %get3A_23] : memref<192x4xf32, #tpu.memory_space<vmem>>, vector<192x1xf32>
    %add3A = vector.broadcast %get3A_24 : vector<192x1xf32> to vector<192x5120xf32>
    %add3A_25 = arith.addf %dot_general3A_21, %add3A : vector<192x5120xf32>
    %mul3A_26 = arith.constant 5.000000e-01 : f32
    %mul3A_27 = vector.broadcast %mul3A_26 : f32 to vector<192x5120xf32>
    %mul3A_28 = arith.mulf %mul3A_27, %add3A_25 : vector<192x5120xf32>
    %tanh3A = math.tanh %mul3A_28 : vector<192x5120xf32>
    %mul3A_29 = arith.constant 5.000000e-01 : f32
    %mul3A_30 = vector.broadcast %mul3A_29 : f32 to vector<192x5120xf32>
    %mul3A_31 = arith.mulf %mul3A_30, %tanh3A : vector<192x5120xf32>
    %add3A_32 = arith.constant 5.000000e-01 : f32
    %add3A_33 = vector.broadcast %add3A_32 : f32 to vector<192x5120xf32>
    %add3A_34 = arith.addf %mul3A_31, %add3A_33 : vector<192x5120xf32>
    %get3A_35 = arith.constant 384 : index
    %get3A_36 = arith.constant 0 : index
    %get3A_37 = vector.load %arg4[%get3A_35, %get3A_36] : memref<768x192xf32, #tpu.memory_space<vmem>>, vector<192x192xf32>
    %dot_general3A_38 = arith.constant dense<0.000000e+00> : vector<192x5120xf32>
    %dot_general3A_39 = tpu.matmul %get3A_37, %mul3A_16, %dot_general3A_38 {dimension_numbers = #tpu.dot_dimension_numbers<[1], [0], [0], [1], [0, 0, 1, 1], [], []>, transpose_lhs_hint = false} : vector<192x192xf32>, vector<192x5120xf32>, vector<192x5120xf32> -> vector<192x5120xf32>
    %get3A_40 = arith.constant 0 : index
    %get3A_41 = arith.constant 2 : index
    %get3A_42 = vector.load %arg5[%get3A_40, %get3A_41] : memref<192x4xf32, #tpu.memory_space<vmem>>, vector<192x1xf32>
    %add3A_43 = vector.broadcast %get3A_42 : vector<192x1xf32> to vector<192x5120xf32>
    %add3A_44 = arith.addf %dot_general3A_39, %add3A_43 : vector<192x5120xf32>
    %tanh3A_45 = math.tanh %add3A_44 : vector<192x5120xf32>
    %get3A_46 = arith.constant 576 : index
    %get3A_47 = arith.constant 0 : index
    %get3A_48 = vector.load %arg4[%get3A_46, %get3A_47] : memref<768x192xf32, #tpu.memory_space<vmem>>, vector<192x192xf32>
    %dot_general3A_49 = arith.constant dense<0.000000e+00> : vector<192x5120xf32>
    %dot_general3A_50 = tpu.matmul %get3A_48, %mul3A_16, %dot_general3A_49 {dimension_numbers = #tpu.dot_dimension_numbers<[1], [0], [0], [1], [0, 0, 1, 1], [], []>, transpose_lhs_hint = false} : vector<192x192xf32>, vector<192x5120xf32>, vector<192x5120xf32> -> vector<192x5120xf32>
    %get3A_51 = arith.constant 0 : index
    %get3A_52 = arith.constant 3 : index
    %get3A_53 = vector.load %arg5[%get3A_51, %get3A_52] : memref<192x4xf32, #tpu.memory_space<vmem>>, vector<192x1xf32>
    %add3A_54 = vector.broadcast %get3A_53 : vector<192x1xf32> to vector<192x5120xf32>
    %add3A_55 = arith.addf %dot_general3A_50, %add3A_54 : vector<192x5120xf32>
    %mul3A_56 = arith.constant 5.000000e-01 : f32
    %mul3A_57 = vector.broadcast %mul3A_56 : f32 to vector<192x5120xf32>
    %mul3A_58 = arith.mulf %mul3A_57, %add3A_55 : vector<192x5120xf32>
    %tanh3A_59 = math.tanh %mul3A_58 : vector<192x5120xf32>
    %mul3A_60 = arith.constant 5.000000e-01 : f32
    %mul3A_61 = vector.broadcast %mul3A_60 : f32 to vector<192x5120xf32>
    %mul3A_62 = arith.mulf %mul3A_61, %tanh3A_59 : vector<192x5120xf32>
    %add3A_63 = arith.constant 5.000000e-01 : f32
    %add3A_64 = vector.broadcast %add3A_63 : f32 to vector<192x5120xf32>
    %add3A_65 = arith.addf %mul3A_62, %add3A_64 : vector<192x5120xf32>
    %mul3A_66 = arith.mulf %add3A_34, %tanh3A_45 : vector<192x5120xf32>
    %tanh3A_67 = math.tanh %mul3A_66 : vector<192x5120xf32>
    %mul3A_68 = arith.mulf %add3A_65, %tanh3A_67 : vector<192x5120xf32>
    %get3A_69 = arith.constant 0 : index
    %get3A_70 = arith.constant 0 : index
    %get3A_71 = vector.load %arg6[%get3A_69, %get3A_70] : memref<192x192xf32, #tpu.memory_space<vmem>>, vector<192x192xf32>
    %dot_general3A_72 = arith.constant dense<0.000000e+00> : vector<192x5120xf32>
    %dot_general3A_73 = tpu.matmul %get3A_71, %mul3A_68, %dot_general3A_72 {dimension_numbers = #tpu.dot_dimension_numbers<[1], [0], [0], [1], [0, 0, 1, 1], [], []>, transpose_lhs_hint = false} : vector<192x192xf32>, vector<192x5120xf32>, vector<192x5120xf32> -> vector<192x5120xf32>
    %max3A_74 = arith.constant 0.000000e+00 : f32
    %max3A_75 = vector.broadcast %max3A_74 : f32 to vector<192x5120xf32>
    %max3A_76 = arith.maximumf %dot_general3A_73, %max3A_75 : vector<192x5120xf32>
    %mul3A_77 = vector.broadcast %convert_element_type3A_6 : vector<1x5120xf32> to vector<192x5120xf32>
    %mul3A_78 = arith.mulf %max3A_76, %mul3A_77 : vector<192x5120xf32>
    %get3A_79 = arith.constant 0 : index
    %get3A_80 = arith.constant 0 : index
    %get3A_81 = vector.load %arg7[%get3A_79, %get3A_80] : memref<768x192xf32, #tpu.memory_space<vmem>>, vector<192x192xf32>
    %dot_general3A_82 = arith.constant dense<0.000000e+00> : vector<192x5120xf32>
    %dot_general3A_83 = tpu.matmul %get3A_81, %mul3A_78, %dot_general3A_82 {dimension_numbers = #tpu.dot_dimension_numbers<[1], [0], [0], [1], [0, 0, 1, 1], [], []>, transpose_lhs_hint = false} : vector<192x192xf32>, vector<192x5120xf32>, vector<192x5120xf32> -> vector<192x5120xf32>
    %get3A_84 = arith.constant 0 : index
    %get3A_85 = arith.constant 0 : index
    %get3A_86 = vector.load %arg8[%get3A_84, %get3A_85] : memref<192x4xf32, #tpu.memory_space<vmem>>, vector<192x1xf32>
    %add3A_87 = vector.broadcast %get3A_86 : vector<192x1xf32> to vector<192x5120xf32>
    %add3A_88 = arith.addf %dot_general3A_83, %add3A_87 : vector<192x5120xf32>
    %mul3A_89 = arith.constant 5.000000e-01 : f32
    %mul3A_90 = vector.broadcast %mul3A_89 : f32 to vector<192x5120xf32>
    %mul3A_91 = arith.mulf %mul3A_90, %add3A_88 : vector<192x5120xf32>
    %tanh3A_92 = math.tanh %mul3A_91 : vector<192x5120xf32>
    %mul3A_93 = arith.constant 5.000000e-01 : f32
    %mul3A_94 = vector.broadcast %mul3A_93 : f32 to vector<192x5120xf32>
    %mul3A_95 = arith.mulf %mul3A_94, %tanh3A_92 : vector<192x5120xf32>
    %add3A_96 = arith.constant 5.000000e-01 : f32
    %add3A_97 = vector.broadcast %add3A_96 : f32 to vector<192x5120xf32>
    %add3A_98 = arith.addf %mul3A_95, %add3A_97 : vector<192x5120xf32>
    %get3A_99 = arith.constant 384 : index
    %get3A_100 = arith.constant 0 : index
    %get3A_101 = vector.load %arg7[%get3A_99, %get3A_100] : memref<768x192xf32, #tpu.memory_space<vmem>>, vector<192x192xf32>
    %dot_general3A_102 = arith.constant dense<0.000000e+00> : vector<192x5120xf32>
    %dot_general3A_103 = tpu.matmul %get3A_101, %mul3A_78, %dot_general3A_102 {dimension_numbers = #tpu.dot_dimension_numbers<[1], [0], [0], [1], [0, 0, 1, 1], [], []>, transpose_lhs_hint = false} : vector<192x192xf32>, vector<192x5120xf32>, vector<192x5120xf32> -> vector<192x5120xf32>
    %get3A_104 = arith.constant 0 : index
    %get3A_105 = arith.constant 2 : index
    %get3A_106 = vector.load %arg8[%get3A_104, %get3A_105] : memref<192x4xf32, #tpu.memory_space<vmem>>, vector<192x1xf32>
    %add3A_107 = vector.broadcast %get3A_106 : vector<192x1xf32> to vector<192x5120xf32>
    %add3A_108 = arith.addf %dot_general3A_103, %add3A_107 : vector<192x5120xf32>
    %tanh3A_109 = math.tanh %add3A_108 : vector<192x5120xf32>
    %get3A_110 = arith.constant 576 : index
    %get3A_111 = arith.constant 0 : index
    %get3A_112 = vector.load %arg7[%get3A_110, %get3A_111] : memref<768x192xf32, #tpu.memory_space<vmem>>, vector<192x192xf32>
    %dot_general3A_113 = arith.constant dense<0.000000e+00> : vector<192x5120xf32>
    %dot_general3A_114 = tpu.matmul %get3A_112, %mul3A_78, %dot_general3A_113 {dimension_numbers = #tpu.dot_dimension_numbers<[1], [0], [0], [1], [0, 0, 1, 1], [], []>, transpose_lhs_hint = false} : vector<192x192xf32>, vector<192x5120xf32>, vector<192x5120xf32> -> vector<192x5120xf32>
    %get3A_115 = arith.constant 0 : index
    %get3A_116 = arith.constant 3 : index
    %get3A_117 = vector.load %arg8[%get3A_115, %get3A_116] : memref<192x4xf32, #tpu.memory_space<vmem>>, vector<192x1xf32>
    %add3A_118 = vector.broadcast %get3A_117 : vector<192x1xf32> to vector<192x5120xf32>
    %add3A_119 = arith.addf %dot_general3A_114, %add3A_118 : vector<192x5120xf32>
    %mul3A_120 = arith.constant 5.000000e-01 : f32
    %mul3A_121 = vector.broadcast %mul3A_120 : f32 to vector<192x5120xf32>
    %mul3A_122 = arith.mulf %mul3A_121, %add3A_119 : vector<192x5120xf32>
    %tanh3A_123 = math.tanh %mul3A_122 : vector<192x5120xf32>
    %mul3A_124 = arith.constant 5.000000e-01 : f32
    %mul3A_125 = vector.broadcast %mul3A_124 : f32 to vector<192x5120xf32>
    %mul3A_126 = arith.mulf %mul3A_125, %tanh3A_123 : vector<192x5120xf32>
    %add3A_127 = arith.constant 5.000000e-01 : f32
    %add3A_128 = vector.broadcast %add3A_127 : f32 to vector<192x5120xf32>
    %add3A_129 = arith.addf %mul3A_126, %add3A_128 : vector<192x5120xf32>
    %mul3A_130 = arith.mulf %add3A_98, %tanh3A_109 : vector<192x5120xf32>
    %tanh3A_131 = math.tanh %mul3A_130 : vector<192x5120xf32>
    %mul3A_132 = arith.mulf %add3A_129, %tanh3A_131 : vector<192x5120xf32>
    %get3A_133 = arith.constant 0 : index
    %get3A_134 = arith.constant 0 : index
    %get3A_135 = vector.load %arg9[%get3A_133, %get3A_134] : memref<16x192xf32, #tpu.memory_space<vmem>>, vector<16x192xf32>
    %dot_general3A_136 = arith.constant dense<0.000000e+00> : vector<16x5120xf32>
    %dot_general3A_137 = tpu.matmul %get3A_135, %mul3A_132, %dot_general3A_136 {dimension_numbers = #tpu.dot_dimension_numbers<[1], [0], [0], [1], [0, 0, 1, 1], [], []>, transpose_lhs_hint = false} : vector<16x192xf32>, vector<192x5120xf32>, vector<16x5120xf32> -> vector<16x5120xf32>
    %mul3A_138 = vector.broadcast %convert_element_type3A_6 : vector<1x5120xf32> to vector<16x5120xf32>
    %mul3A_139 = arith.mulf %dot_general3A_137, %mul3A_138 : vector<16x5120xf32>
    %get3A_140 = arith.constant 0 : index
    %get3A_141 = arith.constant 0 : index
    %get3A_142 = vector.load %arg10[%get3A_140, %get3A_141] : memref<64x16xf32, #tpu.memory_space<vmem>>, vector<16x16xf32>
    %dot_general3A_143 = arith.constant dense<0.000000e+00> : vector<16x5120xf32>
    %dot_general3A_144 = tpu.matmul %get3A_142, %mul3A_139, %dot_general3A_143 {dimension_numbers = #tpu.dot_dimension_numbers<[1], [0], [0], [1], [0, 0, 1, 1], [], []>, transpose_lhs_hint = false} : vector<16x16xf32>, vector<16x5120xf32>, vector<16x5120xf32> -> vector<16x5120xf32>
    %get3A_145 = arith.constant 0 : index
    %get3A_146 = arith.constant 0 : index
    %get3A_147 = vector.load %arg11[%get3A_145, %get3A_146] : memref<16x4xf32, #tpu.memory_space<vmem>>, vector<16x1xf32>
    %add3A_148 = vector.broadcast %get3A_147 : vector<16x1xf32> to vector<16x5120xf32>
    %add3A_149 = arith.addf %dot_general3A_144, %add3A_148 : vector<16x5120xf32>
    %mul3A_150 = arith.constant 5.000000e-01 : f32
    %mul3A_151 = vector.broadcast %mul3A_150 : f32 to vector<16x5120xf32>
    %mul3A_152 = arith.mulf %mul3A_151, %add3A_149 : vector<16x5120xf32>
    %tanh3A_153 = math.tanh %mul3A_152 : vector<16x5120xf32>
    %mul3A_154 = arith.constant 5.000000e-01 : f32
    %mul3A_155 = vector.broadcast %mul3A_154 : f32 to vector<16x5120xf32>
    %mul3A_156 = arith.mulf %mul3A_155, %tanh3A_153 : vector<16x5120xf32>
    %add3A_157 = arith.constant 5.000000e-01 : f32
    %add3A_158 = vector.broadcast %add3A_157 : f32 to vector<16x5120xf32>
    %add3A_159 = arith.addf %mul3A_156, %add3A_158 : vector<16x5120xf32>
    %get3A_160 = arith.constant 32 : index
    %get3A_161 = arith.constant 0 : index
    %get3A_162 = vector.load %arg10[%get3A_160, %get3A_161] : memref<64x16xf32, #tpu.memory_space<vmem>>, vector<16x16xf32>
    %dot_general3A_163 = arith.constant dense<0.000000e+00> : vector<16x5120xf32>
    %dot_general3A_164 = tpu.matmul %get3A_162, %mul3A_139, %dot_general3A_163 {dimension_numbers = #tpu.dot_dimension_numbers<[1], [0], [0], [1], [0, 0, 1, 1], [], []>, transpose_lhs_hint = false} : vector<16x16xf32>, vector<16x5120xf32>, vector<16x5120xf32> -> vector<16x5120xf32>
    %get3A_165 = arith.constant 0 : index
    %get3A_166 = arith.constant 2 : index
    %get3A_167 = vector.load %arg11[%get3A_165, %get3A_166] : memref<16x4xf32, #tpu.memory_space<vmem>>, vector<16x1xf32>
    %add3A_168 = vector.broadcast %get3A_167 : vector<16x1xf32> to vector<16x5120xf32>
    %add3A_169 = arith.addf %dot_general3A_164, %add3A_168 : vector<16x5120xf32>
    %tanh3A_170 = math.tanh %add3A_169 : vector<16x5120xf32>
    %get3A_171 = arith.constant 48 : index
    %get3A_172 = arith.constant 0 : index
    %get3A_173 = vector.load %arg10[%get3A_171, %get3A_172] : memref<64x16xf32, #tpu.memory_space<vmem>>, vector<16x16xf32>
    %dot_general3A_174 = arith.constant dense<0.000000e+00> : vector<16x5120xf32>
    %dot_general3A_175 = tpu.matmul %get3A_173, %mul3A_139, %dot_general3A_174 {dimension_numbers = #tpu.dot_dimension_numbers<[1], [0], [0], [1], [0, 0, 1, 1], [], []>, transpose_lhs_hint = false} : vector<16x16xf32>, vector<16x5120xf32>, vector<16x5120xf32> -> vector<16x5120xf32>
    %get3A_176 = arith.constant 0 : index
    %get3A_177 = arith.constant 3 : index
    %get3A_178 = vector.load %arg11[%get3A_176, %get3A_177] : memref<16x4xf32, #tpu.memory_space<vmem>>, vector<16x1xf32>
    %add3A_179 = vector.broadcast %get3A_178 : vector<16x1xf32> to vector<16x5120xf32>
    %add3A_180 = arith.addf %dot_general3A_175, %add3A_179 : vector<16x5120xf32>
    %mul3A_181 = arith.constant 5.000000e-01 : f32
    %mul3A_182 = vector.broadcast %mul3A_181 : f32 to vector<16x5120xf32>
    %mul3A_183 = arith.mulf %mul3A_182, %add3A_180 : vector<16x5120xf32>
    %tanh3A_184 = math.tanh %mul3A_183 : vector<16x5120xf32>
    %mul3A_185 = arith.constant 5.000000e-01 : f32
    %mul3A_186 = vector.broadcast %mul3A_185 : f32 to vector<16x5120xf32>
    %mul3A_187 = arith.mulf %mul3A_186, %tanh3A_184 : vector<16x5120xf32>
    %add3A_188 = arith.constant 5.000000e-01 : f32
    %add3A_189 = vector.broadcast %add3A_188 : f32 to vector<16x5120xf32>
    %add3A_190 = arith.addf %mul3A_187, %add3A_189 : vector<16x5120xf32>
    %mul3A_191 = arith.mulf %add3A_159, %tanh3A_170 : vector<16x5120xf32>
    %tanh3A_192 = math.tanh %mul3A_191 : vector<16x5120xf32>
    %mul3A_193 = arith.mulf %add3A_190, %tanh3A_192 : vector<16x5120xf32>
    %swap3A = arith.constant 0 : index
    %swap3A_194 = arith.constant 0 : index
    %swap3A_195 = vector.load %arg12[%swap3A, %swap3A_194] : memref<16x5120xf32, #tpu.memory_space<vmem>>, vector<16x5120xf32>
    tpu.vector_store %arg12[%swap3A, %swap3A_194], %mul3A_193 {strides = array<i32>} : memref<16x5120xf32, #tpu.memory_space<vmem>>, vector<16x5120xf32>,
    return
  }
  func.func @transform_0(%arg0: i32) -> (i32, i32) {
    %c0_i32 = arith.constant 0 : i32
    %c0_i32_0 = arith.constant 0 : i32
    return %arg0, %c0_i32 : i32, i32
  }
  func.func @transform_1(%arg0: i32) -> (i32, i32, i32) {
    %c0_i32 = arith.constant 0 : i32
    %c0_i32_0 = arith.constant 0 : i32
    %c0_i32_1 = arith.constant 0 : i32
    return %c0_i32, %arg0, %c0_i32_0 : i32, i32, i32
  }
  func.func @transform_2(%arg0: i32) -> (i32, i32) {
    %c0_i32 = arith.constant 0 : i32
    %c0_i32_0 = arith.constant 0 : i32
    %c0_i32_1 = arith.constant 0 : i32
    return %c0_i32, %c0_i32_0 : i32, i32
  }
  func.func @transform_3(%arg0: i32) -> (i32, i32) {
    %c0_i32 = arith.constant 0 : i32
    %c0_i32_0 = arith.constant 0 : i32
    %c0_i32_1 = arith.constant 0 : i32
    return %c0_i32, %c0_i32_0 : i32, i32
  }
  func.func @transform_4(%arg0: i32) -> (i32, i32) {
    %c0_i32 = arith.constant 0 : i32
    %c0_i32_0 = arith.constant 0 : i32
    %c0_i32_1 = arith.constant 0 : i32
    return %c0_i32, %c0_i32_0 : i32, i32
  }
  func.func @transform_5(%arg0: i32) -> (i32, i32) {
    %c0_i32 = arith.constant 0 : i32
    %c0_i32_0 = arith.constant 0 : i32
    %c0_i32_1 = arith.constant 0 : i32
    return %c0_i32, %c0_i32_0 : i32, i32
  }
  func.func @transform_6(%arg0: i32) -> (i32, i32) {
    %c0_i32 = arith.constant 0 : i32
    %c0_i32_0 = arith.constant 0 : i32
    %c0_i32_1 = arith.constant 0 : i32
    return %c0_i32, %c0_i32_0 : i32, i32
  }
  func.func @transform_7(%arg0: i32) -> (i32, i32) {
    %c0_i32 = arith.constant 0 : i32
    %c0_i32_0 = arith.constant 0 : i32
    %c0_i32_1 = arith.constant 0 : i32
    return %c0_i32, %c0_i32_0 : i32, i32
  }
  func.func @transform_8(%arg0: i32) -> (i32, i32) {
    %c0_i32 = arith.constant 0 : i32
    %c0_i32_0 = arith.constant 0 : i32
    %c0_i32_1 = arith.constant 0 : i32
    return %c0_i32, %c0_i32_0 : i32, i32
  }
  func.func @transform_9(%arg0: i32) -> (i32, i32) {
    %c0_i32 = arith.constant 0 : i32
    %c0_i32_0 = arith.constant 0 : i32
    %c0_i32_1 = arith.constant 0 : i32
    return %c0_i32, %c0_i32_0 : i32, i32
  }
  func.func @transform_10(%arg0: i32) -> (i32, i32) {
    %c0_i32 = arith.constant 0 : i32
    %c0_i32_0 = arith.constant 0 : i32
    %c0_i32_1 = arith.constant 0 : i32
    return %c0_i32, %c0_i32_0 : i32, i32
  }
  func.func @transform_11(%arg0: i32) -> (i32, i32) {
    %c0_i32 = arith.constant 0 : i32
    %c0_i32_0 = arith.constant 0 : i32
    return %c0_i32, %arg0 : i32, i32
  }
}

</mosaic_0001>

<sc_bundles>
// kernel: kernel.4.cloned.1.call-start
scs
__scs_entry_jumppad:
0x0: {  	(pc) =	sbr.rel $0x88, $3  }
0x1: {  	(tag) =	ssettag $0x0;
	lr =	simm.s32 $0x1  }
0x2: {  	[smem:$0x3F93] =	sst lr;
	_ =	strace $0xD0000000  }
0x3: {  	_ = 	snop  }
0x4: {  	_ = 	snop  }
0x5: {  	_ = 	snop  }
0x6: {  	_ = 	snop  }
0x7: {  	_ = 	snop  }
__scs_overlays_trampoline_lowered:
0x8: {  	[smem:$0x3FA2] =	sst s0  }
0x9: {  	[smem:$0x3FA3] =	sst s1  }
0xa: {  	[smem:$0x3FA4] =	sst s2  }
0xb: {  	[smem:$0x3FA5] =	sst s3  }
0xc: {  	[smem:$0x3FA6] =	sst s4  }
0xd: {  	[smem:$0x3FA7] =	sst s5  }
0xe: {  	[smem:$0x3FA8] =	sst s6  }
0xf: {  	[smem:$0x3FA9] =	sst s7  }
0x10: {  	[smem:$0x3FAA] =	sst s8  }
0x11: {  	[smem:$0x3FAB] =	sst s9;
	s0 =	simm.s32 @!p0 $0x0  }
0x12: {  	s1 =	sld [smem:$0x3F91];
	s0 =	simm.s32 @p0 $0x1  }
0x13: {  	[smem:$0x3FAC] =	sst s0;
	s0 =	simm.s32 @!p1 $0x0  }
0x14: {  	s2 =	sld [smem:$0x3F90];
	s0 =	simm.s32 @p1 $0x1  }
0x15: {  	[smem:$0x3FAD] =	sst s0;
	s0 =	simm.s32 @!p2 $0x0  }
0x16: {  	s3 =	sld [smem:$0x3FDB];
	s0 =	simm.s32 @p2 $0x1  }
0x17: {  	s4 =	simm.s32 $0x1BF5;
	[smem:$0x3FAF] =	sst s0  }
0x18: {  	s0 =	sld [smem:$0x3F92];
	_ =	swait.ge [sflag:s4], $0x0  }
0x19: {  	s7 =	sld [smem:$0x3F93]  }
0x1a: {  	s8 =	sadd.s32 $0xFFFFE003, lr  }
0x1b: {  	s9 =	sadd.s32 $0xFFFFFEF7, lr;
	s5 =	simm.s32 $0xFFFFFFFF;
	p2 =	slt.u32 s8, $0xFFFFF086  }
0x1c: {  	p1 =	slt.u32 s9, $0xF7A;
	s5 =	simm.s32 @!p2 $0x0  }
0x1d: {  	s5 =	simm.s32 @p1 $0x1;
	p0 =	seq.s32 s7, s2  }
0x1e: {  	s7 =	smul.u32 @!p0 $0xF7A, s2;
	p2 =	seq.s32 @!p0 s5, $0x0  }
0x1f: {  	s9 =	smul.u32 $0xF7A, s1;
	s8 =	simm.s32 @!p0 $0x1BF5;
	p2 =	por !p2, p0  }
0x20: {  	[sflag:s8] =	ssyncset.s32 @!p0 $0xFFFFF086;
	s6 =	sadd.s32 @!p0 s3, s7;
	s7 =	simm.s32 @!p0 $0x108  }
0x21: {  	s3 =	sadd.s32 s3, s9;
	s6 =	sadd.s32 @!p0 $0x88, s6;
	s7 =	simm.s32 @p2 $0x1082  }
0x22: {  	[simem:s7], [sflag:s8] =	dma.local @!p0 [hbm:s6], $0xF7A  }
0x23: {  	s9 =	sor.u32 $0xD0000000, s2;
	s6 =	simm.s32 $0x108;
	_ =	swait.ge @!p0 [sflag:s8], $0x0  }
0x24: {  	s3 =	sadd.s32 $0x88, s3;
	s6 =	simm.s32 @!p1 $0x1082;
	[sflag:s4] =	ssyncset.s32 $0xFFFFF086  }
0x25: {  	[simem:s6], [sflag:s4] =	dma.local [hbm:s3], $0xF7A  }
0x26: {  	[smem:$0x3F93] =	sst s1;
	(tag) =	ssettag s2;
	_ =	strace s9  }
0x27: {  	s1 =	sld [smem:$0x3FA3]  }
0x28: {  	s2 =	sld [smem:$0x3FA4]  }
0x29: {  	s4 =	sld [smem:$0x3FA6]  }
0x2a: {  	p0 =	seq.s32 s5, $0x0;
	s5 =	sld [smem:$0x3FA7]  }
0x2b: {  	s6 =	sld [smem:$0x3FA8]  }
0x2c: {  	s7 =	sld [smem:$0x3FA9]  }
0x2d: {  	s3 =	simm.s32 $0x108;
	s8 =	sld [smem:$0x3FAA]  }
0x2e: {  	s3 =	simm.s32 @!p0 $0x1082;
	s9 =	sld [smem:$0x3FAB]  }
0x2f: {  	lr =	sadd.s32 s0, s3;
	s0 =	sld [smem:$0x3FA2]  }
0x30: {  	s3 =	sld [smem:$0x3FA5]  }
0x31: {  	[smem:$0x3FAE] =	sst s10  }
0x32: {  	s10 =	sld [smem:$0x3FAC];
	_ =	sdelay $0x3  }
0x33: {  	p0 =	seq.s32 s10, $0x1;
	s10 =	sld [smem:$0x3FAE];
	_ =	sdelay $0x3  }
0x34: {  	[smem:$0x3FAE] =	sst s10  }
0x35: {  	s10 =	sld [smem:$0x3FAD];
	_ =	sdelay $0x3  }
0x36: {  	p1 =	seq.s32 s10, $0x1;
	s10 =	sld [smem:$0x3FAE];
	_ =	sdelay $0x3  }
0x37: {  	[smem:$0x3FAE] =	sst s10  }
0x38: {  	s10 =	sld [smem:$0x3FAF]  }
0x39: {  	_ = 	snop;
	(pc) =	sbr.ind lr, $3  }
0x3a: {  	_ = 	snop  }
0x3b: {  	_ = 	snop  }
0x3c: {  	p2 =	seq.s32 s10, $0x1;
	s10 =	sld [smem:$0x3FAE]  }
0x3d: {  	_ =	shalt  }
0x3e: {  	_ =	shalt  }
0x3f: {  	_ =	shalt  }
0x40: {  	_ =	shalt  }
0x41: {  	_ =	shalt  }
0x42: {  	_ =	shalt  }
0x43: {  	_ =	shalt  }
0x44: {  	_ =	shalt  }
0x45: {  	_ =	shalt  }
0x46: {  	_ =	shalt  }
0x47: {  	_ =	shalt  }
0x48: {  	_ =	shalt  }
0x49: {  	_ =	shalt  }
0x4a: {  	_ =	shalt  }
0x4b: {  	_ =	shalt  }
0x4c: {  	_ =	shalt  }
0x4d: {  	_ =	shalt  }
0x4e: {  	_ =	shalt  }
0x4f: {  	_ =	shalt  }
0x50: {  	_ =	shalt  }
0x51: {  	_ =	shalt  }
0x52: {  	_ =	shalt  }
0x53: {  	_ =	shalt  }
0x54: {  	_ =	shalt  }
0x55: {  	_ =	shalt  }
0x56: {  	_ =	shalt  }
0x57: {  	_ =	shalt  }
0x58: {  	_ =	shalt  }
0x59: {  	_ =	shalt  }
0x5a: {  	_ =	shalt  }
0x5b: {  	_ =	shalt  }
0x5c: {  	_ =	shalt  }
0x5d: {  	_ =	shalt  }
0x5e: {  	_ =	shalt  }
0x5f: {  	_ =	shalt  }
0x60: {  	_ =	shalt  }
0x61: {  	_ =	shalt  }
0x62: {  	_ =	shalt  }
0x63: {  	_ =	shalt  }
0x64: {  	_ =	shalt  }
0x65: {  	_ =	shalt  }
0x66: {  	_ =	shalt  }
0x67: {  	_ =	shalt  }
0x68: {  	_ =	shalt  }
0x69: {  	_ =	shalt  }
0x6a: {  	_ =	shalt  }
0x6b: {  	_ =	shalt  }
0x6c: {  	_ =	shalt  }
0x6d: {  	_ =	shalt  }
0x6e: {  	_ =	shalt  }
0x6f: {  	_ =	shalt  }
0x70: {  	_ =	shalt  }
0x71: {  	_ =	shalt  }
0x72: {  	_ =	shalt  }
0x73: {  	_ =	shalt  }
0x74: {  	_ =	shalt  }
0x75: {  	_ =	shalt  }
0x76: {  	_ =	shalt  }
0x77: {  	_ =	shalt  }
0x78: {  	_ =	shalt  }
0x79: {  	_ =	shalt  }
0x7a: {  	_ =	shalt  }
0x7b: {  	_ =	shalt  }
0x7c: {  	_ =	shalt  }
0x7d: {  	_ =	shalt  }
0x7e: {  	_ =	shalt  }
0x7f: {  	_ =	shalt  }
0x80: {  	_ =	shalt  }
0x81: {  	_ =	shalt  }
0x82: {  	_ =	shalt  }
0x83: {  	_ =	shalt  }
0x84: {  	_ =	shalt  }
0x85: {  	_ =	shalt  }
0x86: {  	_ =	shalt  }
0x87: {  	_ =	shalt  }
.Lfunc_end0:
.L_simem_size_0:
called_computation_lowered:
.L_overlay_start_0:
0x88: {  	s2 =	sld [smem:$0x3FD9]  }
0x89: {  	s3 =	sld [smem:$0x3FFE];
	_ =	sdelay $0x1  }
0x8a: {  	s1 =	srdreg.scid  }
0x8b: {  	s0 =	sand.u32 $0x1, s1  }
0x8c: {  	s16 =	sshll.u32 s0, $0xA;
	s2 =	sadd.s32 s3, s2  }
0x8d: {  	s2 =	sadd.s32 s2, s16  }
0x8e: {  	[smem:$0x3FBA] =	sst s2  }
0x8f: {  	_ = 	snop  }
0x90: {  	(tm) =	ssettm $0x1  }
0x91: {  	s17 =	sld [smem:$0x3FFB];
	_ =	sdelay $0x3  }
0x92: {  	_ =	strace s17  }
0x93: {  	s2 =	sld [smem:$0x3FFC];
	_ =	sdelay $0x3  }
0x94: {  	_ =	strace s2  }
0x95: {  	s2 =	sld [smem:$0x3FFD];
	_ =	sdelay $0x3  }
0x96: {  	_ =	strace s2  }
0x97: {  	_ =	strace $0x8FFFFFFF  }
0x98: {  	s18 =	sld [smem:$0x3FDB];
	_ =	sdelay $0x1  }
0x99: {  	s19 =	simm.s32 $_scs_section_size  }
0x9a: {  	s4 =	simm.s32 $_size__tile_overlayer_lowered;
	s5 =	simm.s32 $_tile_overlayer_lowered  }
0x9b: {  	s22 =	simm.s32 $0x1BFF;
	s21 =	sshll.u32 s5, $0x1;
	s2 =	sadd.s32 s19, s18  }
0x9c: {  	s6 =	simm.s32 $0x0;
	s20 =	sshll.u32 s4, $0x1;
	s4 =	sadd.s32 s21, s2  }
0x9d: {  	[timem:s6], [sflag:s22] =	dma.local [hbm:s4], s20  }
0x9e: {  	_ =	swait.ge [sflag:s22], s20  }
0x9f: {  	s3 =	ssub.s32 $0x0, s20;
	[sflag:s22] =	ssyncset.done $0x0  }
0xa0: {  	[sflag:s22] =	ssyncadd.s32 s3;
	_ =	sdelay $0x1  }
0xa1: {  	s23 =	simm.s32 $0x1B8B  }
0xa2: {  	_ =	swait.ge [sflag:s23], $0x1  }
0xa3: {  	[sflag:s23] =	ssyncset.done $0x0  }
0xa4: {  	s25 =	simm.s32 $0x1B8E;
	s24 =	sld [smem:$0x3FFE];
	[sflag:s23] =	ssyncadd.s32 $0xFFFFFFFF  }
0xa5: {  	s26 =	simm.s32 $execute0_lowered;
	[smem:$0x3FD2] =	sst s25  }
0xa6: {  	s4 =	sshll.u32 s26, $0x1;
	_ =	strace $0x80000046;
	[dreg:$0x1] =	wrdreg $0xFFFFFFFF  }
0xa7: {  	s28 =	simm.s32 $_size_execute0_lowered;
	s2 =	sadd.s32 s2, s4;
	[dreg:$0x0] =	wrdreg $0x0  }
0xa8: {  	s4 =	sshll.u32 s28, $0x1;
	[dreg:$0x2] =	wrdreg s2  }
0xa9: {  	[dreg:$0x3] =	wrdreg s4  }
0xaa: {  	[dreg:$0x4] =	wrdreg $0xC0  }
0xab: {  	_ =	task [dreg:s6], $0x5FFFF  }
0xac: {  	[dreg:$0x1] =	wrdreg $0xFFFFFFFF  }
0xad: {  	[dreg:$0x0] =	wrdreg $0x60  }
0xae: {  	[dreg:$0x2] =	wrdreg s24  }
0xaf: {  	[dreg:$0x3] =	wrdreg $0x9  }
0xb0: {  	_ =	task.clear_ibuf [dreg:s6], $0x4FFFF;
	_ =	strace $0x90000046  }
0xb1: {  	s29 =	simm.s32 $0x9;
	_ =	strace $0x80000048  }
0xb2: {  	_ =	swait.ge [sflag:s29], $0x1  }
0xb3: {  	[sflag:s29] =	ssyncadd.s32 $0xFFFFFFFF  }
0xb4: {  	_ =	strace $0x90000048  }
0xb5: {  	_ =	sfence  }
0xb6: {  	s30 =	sld [smem:$0x0];
	_ =	sdelay $0x2  }
0xb7: {  	s31 =	sshll.u32 s1, $0xD;
	s1 =	sshrl.u32 s1, $0x2  }
0xb8: {  	s3 =	sand.u32 $0x4000, s31;
	s1 =	sadd.s32 s1, s30  }
0xb9: {  	s0 =	sor.u32 s3, s0;
	s1 =	sshll.u32 s1, $0x11  }
0xba: {  	s0 =	sor.u32 s1, s0  }
0xbb: {  	s0 =	sadd.s32 $0x8F2B, s0  }
0xbc: {  	[sflag:s0] =	ssyncadd.remote.s32 $0x1  }
0xbd: {  	_ =	sfence.sel $0xFFFF  }
0xbe: {  	[dreg:$0x0] =	wrdreg $0xFFFFFFFF;
	(pc) =	sbr.abs _section_cstart, $3  }
0xbf: {  	[dreg:$0x1] =	wrdreg $0xFFFFFFFF  }
0xc0: {  	_ =	task.clear_ibuf [dreg:s6], $0x2FFFF;
	_ =	strace $0x9FFFFFFF  }
0xc1: {  	(tm) =	ssettm $0x7FFFFFFF  }
tec
execute0_lowered:
.L_overlay_start_1:
0x0: {  	(tag) =	ssettag $0x1  }
0x1: {  	s1 =	srdreg.scid;
	s0 =	stileid.u32  }
0x2: {  	s3 =	sand.u32 $0x1, s1;
	s30 =	sshll.u32 s0, $0x1  }
0x3: {  	s4 =	rddreg [dreg:$0x0];
	s5 =	sor.u32 s3, s30  }
0x4: {  	s2 =	simm.s32 $0x0;
	s8 =	simm.s32 $0x0;
	s6 =	smul.u32 $0x2710, s5  }
0x5: {  	[smem:$0x7FF] =	sst s2;
	s3 =	ssub.s32 $0x2, s3;
	s5 =	smul.u32 $0x500, s5  }
0x6: {  	s1 =	rddreg [dreg:$0x1];
	_ =	strace $0x80000047;
	s7 =	sshrl.u32 s3, $0x1  }
0x7: {  	s7 =	ssub.s32 s3, s7;
	s6 =	sshrl.u32 s6, $0x3;
	s5 =	sadd.s32 s5, s4  }
0x8: {  	s31 =	sadd.s32 s4, s6;
	s4 =	sadd.s32 $0x16000, s5;
	s5 =	smax.u32 s7, $0x1  }
0x9: {  	v0 =	vimm.f32 $0.0e+00;
	v1 =	vimm.f32 $1.000000000e+00;
	s6 =	simm.s32 $0x1;
	s7 =	simm.s32 $0x2780;
	s3 =	sadd.s32 $0xC240, s31  }
.LBB2_1:
0xa: {  	[tilespmem:s2], [sflag:$0x1] =	stream.linear.gather [hbm4b:s3+s2], $0x2710, $0x38;
	[tilespmem:$0x4F80] =	vst v63  }
0xb: {  	_ =	swait.ge [sflag:s6], $0x2710  }
0xc: {  	[sflag:s6] =	ssyncset.done $0x0  }
0xd: {  	s10 =	simm.s32 $0x140;
	s9 =	simm.s32 $0x0;
	[sflag:s6] =	ssyncadd.s32 $0xFFFFD8F0  }
.LBB2_2:
0xe: {  	p0 =	sne.s32 s10, $0x9EC0;
	[tilespmem:s9+$0x27C0] =	vst v0;
	s11 =	smov.u32 s10;
	s10 =	sadd.s32 $0x140, s10  }
.Ltmp0:
0xf: {  	[tilespmem:s9+$0x27B0] =	vst v0;
	(pc) =	sbr.rel @p0 .LBB2_2-.Ltmp0, $4  }
0x10: {  	[tilespmem:s9+$0x27A0] =	vst v0  }
0x11: {  	[tilespmem:s9+$0x2780] =	vst v0  }
0x12: {  	[tilespmem:s9+$0x2790] =	vst v0  }
0x13: {  	s9 =	sshra.s32 s11, $0x2  }
0x14: {  	[tilespmem:s9+$0x27C0] =	vst v0  }
0x15: {  	[tilespmem:s9+$0x27B0] =	vst v0  }
0x16: {  	[tilespmem:s9+$0x27A0] =	vst v0  }
0x17: {  	[tilespmem:s9+$0x2780] =	vst v0  }
0x18: {  	[tilespmem:s9+$0x2790] =	vst v0;
	s9 =	simm.s32 $0x0  }
.LBB2_4:
0x19: {  	s10 =	sshra.s32 s9, $0x2  }
0x1a: {  	v2 =	vld [tilespmem:s10+$0x0];
	_ =	sdelay $0x7  }
0x1b: {  	[tilespmem:v2+s7+$0x0] =	vst.idx.msk $0xffff, v1  }
0x1c: {  	v2 =	vld [tilespmem:s10+$0x10];
	_ =	sdelay $0x7  }
0x1d: {  	[tilespmem:v2+s7+$0x0] =	vst.idx.msk $0xffff, v1  }
0x1e: {  	v2 =	vld [tilespmem:s10+$0x20];
	_ =	sdelay $0x7  }
0x1f: {  	[tilespmem:v2+s7+$0x0] =	vst.idx.msk $0xffff, v1  }
0x20: {  	v2 =	vld [tilespmem:s10+$0x30];
	_ =	sdelay $0x7  }
0x21: {  	[tilespmem:v2+s7+$0x0] =	vst.idx.msk $0xffff, v1  }
0x22: {  	v2 =	vld [tilespmem:s10+$0x40];
	_ =	sdelay $0x2  }
0x23: {  	p0 =	sne.s32 s9, $0x9B00  }
.Ltmp1:
0x24: {  	_ = 	snop;
	(pc) =	sbr.rel @p0 .LBB2_4-.Ltmp1, $2  }
0x25: {  	_ =	sdelay $0x2  }
0x26: {  	s9 =	sadd.s32 $0x140, s9;
	[tilespmem:v2+s7+$0x0] =	vst.idx.msk $0xffff, v1  }
0x27: {  	s8 =	sadd.s32 $0x1, s8  }
0x28: {  	p0 =	sne.s32 s8, s5  }
.Ltmp2:
0x29: {  	_ = 	snop;
	(pc) =	sbr.rel @p0 .LBB2_1-.Ltmp2, $4  }
0x2a: {  	[hbm4b:s4+s2] =	stream.linear.scatter [tilespmem:s7], [sflag:$0x1], $0x2800, $0x38;
	[tilespmem:$0x4F80] =	vst v63  }
0x2b: {  	_ =	swait.ge [sflag:s6], $0x2800  }
0x2c: {  	[sflag:s6] =	ssyncset.done $0x0  }
0x2d: {  	[sflag:s6] =	ssyncadd.s32 $0xFFFFD800  }
0x2e: {  	_ =	sfence.sel $0x180000  }
0x2f: {  	[bflag:$0x0] =	sbarrier.arrive $0xFFFF  }
0x30: {  	p0 =	sne.s32 s0, $0x0;
	_ =	strace $0x90000047  }
0x31: {  	s0 =	sadd.s32 @!p0 $0x100000, s1;
	[bflag:$0x2] =	sbarrier.arrive $0xFFFF  }
0x32: {  	[sflag:s0] =	ssyncadd.tile.s32 @!p0 $0x1;
	_ =	shalt  }
.Lfunc_end2:
_tile_overlayer_lowered:
.L_overlay_start_2:
0x33: {  	(tag) =	ssettag $0x2  }
0x34: {  	s0 =	rddreg [dreg:$0x0];
	s2 =	stileid.u32  }
0x35: {  	s1 =	rddreg [dreg:$0x1];
	p0 =	sne.s32 s2, $0x0  }
0x36: {  	s3 =	rddreg [dreg:$0x2];
	[bflag:$0x3] =	sbarrier.arrive $0xFFFF;
	s2 =	simm.s32 @!p0 $0x1C01  }
0x37: {  	[timem:s3], [sflag:s2] =	dma.local @!p0 [hbm:s0], s1  }
0x38: {  	s0 =	simm.s32 @!p0 $0x1  }
0x39: {  	_ =	swait.ge @!p0 [sflag:s0], s1  }
0x3a: {  	s1 =	ssub.s32 @!p0 $0x0, s1;
	[sflag:s0] =	ssyncset.done @!p0 $0x0  }
0x3b: {  	[sflag:s0] =	ssyncadd.s32 @!p0 s1  }
0x3c: {  	[bflag:$0x3] =	sbarrier.arrive $0xFFFF  }
0x3d: {  	_ =	shalt  }

</sc_bundles>
